<compile_context>
chip_gen: v7x
topology: tpu7x:2x2x1
jax: 0.10.2.dev20260603
libtpu: 0.0.44.dev20260713+nightly
codegen_flags: <defaults>
</compile_context>

<pallas_src>
import functools
import jax
import jax.numpy as jnp
from jax import lax
from jax.experimental import pallas as pl
from jax.experimental.pallas import tpu as pltpu
from jax.experimental.pallas import tpu_sc as plsc

E = 160000
NC = 88000
NCYC = 16000

BR = 1000


def _relu(x):
    return jnp.maximum(x, 0.0)


def _full(shape):
    return pl.BlockSpec(shape, lambda i: (0,) * len(shape))


def _rows(br, off=0):
    return pl.BlockSpec((br, 128), lambda i, o=off: (o + i, 0))


def _tc1_body(e2c1, e2c2, b1, b2, ca, bc,
              w20, bb20, w21, bb21, w22, bb22,
              w10, bb10, w11, bb11,
              we0, bbe0, we1, bbe1,
              eps_c,
              cycle_out, lac_out):
    x = jnp.concatenate([e2c2[...], b2[...], e2c1[...], b1[...]], axis=1)
    h = _relu(jnp.dot(x, w20[...], preferred_element_type=jnp.float32) + bb20[...])
    h = _relu(jnp.dot(h, w21[...], preferred_element_type=jnp.float32) + bb21[...])
    lift = jnp.dot(h, w22[...], preferred_element_type=jnp.float32) + bb22[...]

    s = 1.0 + eps_c[0, 0]
    cin = s * jnp.concatenate([ca[...], bc[...]], axis=1) + lift
    h = _relu(jnp.dot(cin, w10[...], preferred_element_type=jnp.float32) + bb10[...])
    cycle_out[...] = jnp.dot(h, w11[...], preferred_element_type=jnp.float32) + bb11[...]

    ein = jnp.concatenate([lift, ca[...]], axis=1)
    h = _relu(jnp.dot(ein, we0[...], preferred_element_type=jnp.float32) + bbe0[...])
    lac_out[...] = jnp.dot(h, we1[...], preferred_element_type=jnp.float32) + bbe1[...]


def _tc1(e2c1, e2c2, b3, ca, params):
    cm2 = params["cycle_mlp_2"]
    cm1 = params["cycle_mlp_1"]
    em1 = params["edge_mlp_1"]
    wargs = [cm2[0][0], cm2[0][1], cm2[1][0], cm2[1][1], cm2[2][0], cm2[2][1],
             cm1[0][0], cm1[0][1], cm1[1][0], cm1[1][1],
             em1[0][0], em1[0][1], em1[1][0], em1[1][1],
             params["eps_cycle_1"]]
    wspecs = [_full(w.shape) for w in wargs]
    b1, b2, bc = b3[:NC], b3[NC:2 * NC], b3[2 * NC:3 * NC]
    return pl.pallas_call(
        _tc1_body,
        grid=(NC // BR,),
        in_specs=[_rows(BR)] * 6 + wspecs,
        out_specs=[_rows(BR), _rows(BR)],
        out_shape=[jax.ShapeDtypeStruct((NC, 128), jnp.float32),
                   jax.ShapeDtypeStruct((NC, 128), jnp.float32)],
    )(e2c1[:NC], e2c2[:NC], b1, b2, ca, bc, *wargs)


def _tc2_body(lac, blac, wa1, wb1, wa2, wb2, y1, y2):
    y1[...] = (jnp.dot(lac[...], wa1[...], preferred_element_type=jnp.float32)
               + jnp.dot(blac[...], wb1[...], preferred_element_type=jnp.float32))
    y2[...] = (jnp.dot(lac[...], wa2[...], preferred_element_type=jnp.float32)
               + jnp.dot(blac[...], wb2[...], preferred_element_type=jnp.float32))


def _tc2(lac, blac, params):
    w30 = params["edge_mlp_3"][0][0]
    wa1, wb1, wa2, wb2 = w30[0:128], w30[128:256], w30[256:384], w30[384:512]
    return pl.pallas_call(
        _tc2_body,
        grid=(NC // BR,),
        in_specs=[_rows(BR)] * 2 + [_full((128, 128))] * 4,
        out_specs=[_rows(BR), _rows(BR)],
        out_shape=[jax.ShapeDtypeStruct((NC, 128), jnp.float32),
                   jax.ShapeDtypeStruct((NC, 128), jnp.float32)],
    )(lac, blac, wa1, wb1, wa2, wb2)


def _tc3_body(lvl1h, edge, b30, w31, b31, w32, b32, w0, c0, w1, c1, eps_e, out):
    h = _relu(lvl1h[...] + b30[...])
    h = _relu(jnp.dot(h, w31[...], preferred_element_type=jnp.float32) + b31[...])
    la = jnp.dot(h, w32[...], preferred_element_type=jnp.float32) + b32[...]
    t = (1.0 + eps_e[0, 0]) * edge[...] + la
    h = _relu(jnp.dot(t, w0[...], preferred_element_type=jnp.float32) + c0[...])
    out[...] = jnp.dot(h, w1[...], preferred_element_type=jnp.float32) + c1[...]


def _tc3(lvl1h, edge_attr, params):
    em3 = params["edge_mlp_3"]
    em2 = params["edge_mlp_2"]
    wargs = [em3[0][1], em3[1][0], em3[1][1], em3[2][0], em3[2][1],
             em2[0][0], em2[0][1], em2[1][0], em2[1][1],
             params["eps_edge_1"]]
    wspecs = [_full(w.shape) for w in wargs]
    return pl.pallas_call(
        _tc3_body,
        grid=(E // BR,),
        in_specs=[_rows(BR), _rows(BR)] + wspecs,
        out_specs=_rows(BR),
        out_shape=jax.ShapeDtypeStruct((E, 128), jnp.float32),
    )(lvl1h, edge_attr, *wargs)


_NW = 32
_CG = 256


@functools.partial(jax.jit, static_argnames=("n_chunks",))
def _sc_gather_call(table, idx_pad, n_chunks):
    mesh = plsc.VectorSubcoreMesh(core_axis_name="c", subcore_axis_name="s")
    m_pad = idx_pad.shape[0]
    per_w = m_pad // _NW

    def body(table_hbm, idx_hbm, out_hbm, idx_v, rows_v, sem):
        wid = lax.axis_index("s") * 2 + lax.axis_index("c")
        base = wid * per_w
        pltpu.sync_copy(idx_hbm.at[pl.ds(base, per_w)], idx_v)

        def step(k, carry):
            off = k * _CG
            pltpu.async_copy(table_hbm.at[idx_v.at[pl.ds(off, _CG)]],
                             rows_v, sem).wait()
            pltpu.sync_copy(rows_v, out_hbm.at[pl.ds(base + off, _CG)])
            return carry

        lax.fori_loop(0, n_chunks, step, 0)

    f = pl.kernel(
        body,
        out_type=jax.ShapeDtypeStruct((m_pad, 128), jnp.float32),
        mesh=mesh,
        scratch_types=[
            pltpu.VMEM((per_w,), jnp.int32),
            pltpu.VMEM((_CG, 128), jnp.float32),
            pltpu.SemaphoreType.DMA,
        ],
    )
    return f(table, idx_pad)


def _pad_to(m):
    return ((m + 8191) // 8192) * 8192


def _pad_to_g(m):
    return ((m + 8191) // 8192) * 8192


def _gather(table, idx):
    m_pad = idx.shape[0]
    return _sc_gather_call(table, idx, m_pad // _NW // _CG)


_RSC = 11776
_GF = 128
_SLAB = _RSC // 16


@functools.partial(jax.jit, static_argnames=("npass",))
def _sc_scatlin_call(msgs, dst_flat, zeros, npass):
    mesh = plsc.VectorSubcoreMesh(core_axis_name="c", subcore_axis_name="s")
    n_out = npass * 2 * _RSC
    m_pad = dst_flat.shape[0]
    m_slice = m_pad // 16
    ngroups = m_slice // _GF

    def body(msgs_hbm, dst_hbm, zeros_hbm, out_hbm, dst_v, sel_d, rows_v,
             acc, sem):
        cid = lax.axis_index("c")
        sid = lax.axis_index("s")
        pltpu.sync_copy(dst_hbm.at[pl.ds(sid * m_slice, m_slice)], dst_v)

        for p in range(npass):
            base = p * 2 * _RSC + cid * _RSC
            pltpu.sync_copy(zeros_hbm, rows_v)
            for z in range(_SLAB // 128):
                pltpu.sync_copy(rows_v,
                                acc.at[pl.ds(sid * _SLAB + z * 128, 128)])
            rem = _SLAB % 128
            if rem:
                pltpu.sync_copy(
                    rows_v.at[pl.ds(0, rem)],
                    acc.at[pl.ds(sid * _SLAB + _SLAB - rem, rem)])
            plsc.subcore_barrier()

            def group(g, carry):
                goff = g * _GF
                for j in range(8):
                    dv = dst_v[pl.ds(goff + j * 16, 16)] - base
                    m = (dv >= 0) & (dv < _RSC)
                    sel_d[pl.ds(j * 16, 16)] = jnp.where(m, dv, _RSC)
                moff = sid * m_slice + goff
                pltpu.sync_copy(msgs_hbm.at[pl.ds(moff, _GF)], rows_v)
                pltpu.sync_copy(rows_v, acc.at[sel_d], add=True)
                return carry

            lax.fori_loop(0, ngroups, group, 0)
            plsc.subcore_barrier()
            for z in range(_SLAB // 128):
                pltpu.sync_copy(acc.at[pl.ds(sid * _SLAB + z * 128, 128)],
                                rows_v)
                pltpu.sync_copy(rows_v, out_hbm.at[
                    pl.ds(base + sid * _SLAB + z * 128, 128)])
            if rem:
                pltpu.sync_copy(
                    acc.at[pl.ds(sid * _SLAB + _SLAB - rem, rem)],
                    rows_v.at[pl.ds(0, rem)])
                pltpu.sync_copy(rows_v.at[pl.ds(0, rem)], out_hbm.at[
                    pl.ds(base + sid * _SLAB + _SLAB - rem, rem)])

    f = pl.kernel(
        body,
        out_type=jax.ShapeDtypeStruct((n_out, 128), jnp.float32),
        mesh=mesh,
        scratch_types=[
            pltpu.VMEM((m_slice,), jnp.int32),
            pltpu.VMEM((_GF,), jnp.int32),
            pltpu.VMEM((_GF, 128), jnp.float32),
            pltpu.VMEM_SHARED((_RSC + 1, 128), jnp.float32),
            pltpu.SemaphoreType.DMA,
        ],
    )
    return f(msgs, dst_flat, zeros)


def _scatter_add(table, src, dst, nrows, linear=False):
    m = dst.shape[0]
    m_pad = _pad_to(m) if linear else _pad_to_g(m)
    if linear:
        msgs = table
        if msgs.shape[0] < m_pad:
            msgs = jnp.concatenate(
                [msgs, jnp.zeros((m_pad - msgs.shape[0], 128),
                                 jnp.float32)])
    else:
        idx_pad = jnp.pad(src, (0, m_pad - m))
        msgs = _gather(table, idx_pad)
    dst_p = jnp.pad(dst, (0, m_pad - m), constant_values=-(2 ** 30))
    npass = (nrows + 2 * _RSC - 1) // (2 * _RSC)
    zeros = jnp.zeros((128, 128), jnp.float32)
    return _sc_scatlin_call(msgs, dst_p, zeros, npass)


def kernel(edge_attr, cycle_attr, params, cycle_ids,
           e2c_src_1, e2c_dst_1, e2c_src_2, e2c_dst_2,
           c2e_src_1, c2e_dst_1, c2e_src_2, c2e_dst_2):
    e2c1 = _scatter_add(edge_attr, e2c_src_1, e2c_dst_1, NC)
    e2c2 = _scatter_add(edge_attr, e2c_src_2, e2c_dst_2, NC)

    m3 = 3 * NC
    m3_pad = _pad_to(m3)
    table3 = jnp.concatenate([e2c1[:NC], e2c2[:NC], cycle_attr], axis=0)
    dst3 = jnp.concatenate(
        [cycle_ids, cycle_ids + NCYC, cycle_ids + 2 * NCYC])
    segs = _scatter_add(table3, None, dst3, 3 * NCYC, linear=True)

    g3_pad = _pad_to_g(m3)
    gidx = jnp.pad(dst3, (0, g3_pad - m3))
    b3 = _gather(segs, gidx)

    cycle_out, lac = _tc1(e2c1, e2c2, b3, cycle_attr, params)

    slac = _scatter_add(lac, None, cycle_ids, NCYC, linear=True)
    cidp = jnp.pad(cycle_ids, (0, _pad_to_g(NC) - NC))
    blac = _gather(slac, cidp)

    y1, y2 = _tc2(lac, blac[:NC], params)

    ytab = jnp.concatenate([y1, y2], axis=0)
    csrc = jnp.concatenate([c2e_src_1, c2e_src_2 + NC])
    cdst = jnp.concatenate([c2e_dst_1, c2e_dst_2])
    lvl1h = _scatter_add(ytab, csrc, cdst, E)

    edge_out = _tc3(lvl1h, edge_attr, params)
    return (edge_out, cycle_out)

# --- scband reference (transcript-rebuilt; emitter-appended) ---
"""Pipeline reference for scband-edge-cycle-39479339385281 (READ-ONLY COPY).

The authoritative reference and input builder live on the scoring server;
editing this copy changes nothing except your own understanding.
"""

import jax, jax.numpy as jnp
import numpy as np

E = 160000
NC = 88000
NCYC = 16000
M1 = 176000
M2 = 88000
HE = 128
HC = 128
DE = 128
DC = 128


def _linear_init(key, din, dout):
    k1, k2 = jax.random.split(key)
    lim = 1.0 / np.sqrt(din)
    W = jax.random.uniform(k1, (din, dout), dtype=jnp.float32, minval=-lim, maxval=lim)
    b = jax.random.uniform(k2, (dout,), dtype=jnp.float32, minval=-lim, maxval=lim)
    return (W, b)


def _mlp_init(key, dims):
    keys = jax.random.split(key, len(dims) - 1)
    return [_linear_init(k, dims[i], dims[i + 1]) for i, k in enumerate(keys)]


def _mlp_apply(layers, x):
    n = len(layers)
    for i, (W, b) in enumerate(layers):
        x = x @ W + b
        if i < n - 1:
            x = jax.nn.relu(x)
    return x


def setup_inputs(seed: int = 0):
    key = jax.random.key(seed)
    ks = jax.random.split(key, 16)
    edge_attr = jax.random.normal(ks[0], (E, HE), dtype=jnp.float32)
    cycle_attr = jax.random.normal(ks[1], (NC, HC), dtype=jnp.float32)
    cycle_ids = jnp.sort(jax.random.randint(ks[2], (NC,), 0, NCYC, dtype=jnp.int32))
    e2c_src_1 = jax.random.randint(ks[3], (M1,), 0, E, dtype=jnp.int32)
    e2c_dst_1 = jax.random.randint(ks[4], (M1,), 0, NC, dtype=jnp.int32)
    e2c_src_2 = jax.random.randint(ks[5], (M2,), 0, E, dtype=jnp.int32)
    e2c_dst_2 = jax.random.randint(ks[6], (M2,), 0, NC, dtype=jnp.int32)
    c2e_src_1 = jax.random.randint(ks[7], (M1,), 0, NC, dtype=jnp.int32)
    c2e_dst_1 = jax.random.randint(ks[8], (M1,), 0, E, dtype=jnp.int32)
    c2e_src_2 = jax.random.randint(ks[9], (M2,), 0, NC, dtype=jnp.int32)
    c2e_dst_2 = jax.random.randint(ks[10], (M2,), 0, E, dtype=jnp.int32)
    params = {
        "edge_mlp_1": _mlp_init(ks[11], [HE + 2 * HC, DE, HE]),
        "edge_mlp_2": _mlp_init(ks[12], [HE, DE, HE]),
        "edge_mlp_3": _mlp_init(ks[13], [HE * 4, DE, DE, HE]),
        "cycle_mlp_1": _mlp_init(ks[14], [HC * 2, DC, HC]),
        "cycle_mlp_2": _mlp_init(ks[15], [HE * 4, DC, DC, HC * 2]),
        "eps_edge_1": jnp.zeros((1, 1), dtype=jnp.float32),
        "eps_cycle_1": jnp.zeros((1, 1), dtype=jnp.float32),
    }
    return {
        "edge_attr": edge_attr,
        "cycle_attr": cycle_attr,
        "params": params,
        "cycle_ids": cycle_ids,
        "e2c_src_1": e2c_src_1,
        "e2c_dst_1": e2c_dst_1,
        "e2c_src_2": e2c_src_2,
        "e2c_dst_2": e2c_dst_2,
        "c2e_src_1": c2e_src_1,
        "c2e_dst_1": c2e_dst_1,
        "c2e_src_2": c2e_src_2,
        "c2e_dst_2": c2e_dst_2,
    }


def reference(edge_attr, cycle_attr, params, cycle_ids, e2c_src_1, e2c_dst_1, e2c_src_2, e2c_dst_2, c2e_src_1, c2e_dst_1, c2e_src_2, c2e_dst_2):
    # ptens 1st-order self-gather (min_overlaps == cycle size): linmaps = [identity, broadcast(per-cycle sum)] -> 2x channels
    def self_linmap(x):
        s = jax.ops.segment_sum(x, cycle_ids, num_segments=NCYC)
        return jnp.concatenate([x, jnp.take(s, cycle_ids, axis=0)], axis=-1)

    # gather_from_ptensors(edge_attr 0b -> cycle 1b, min_overlaps=1/2): scatter-add of edge features onto overlapping cycle rows
    edge2cycles_1 = jax.ops.segment_sum(jnp.take(edge_attr, e2c_src_1, axis=0), e2c_dst_1, num_segments=NC)
    edge2cycles_2 = jax.ops.segment_sum(jnp.take(edge_attr, e2c_src_2, axis=0), e2c_dst_2, num_segments=NC)
    edge2cycles_2_linmap = self_linmap(edge2cycles_2)
    edge2cycles_1_linmap = self_linmap(edge2cycles_1)
    lift_aggr = _mlp_apply(params["cycle_mlp_2"], jnp.concatenate([edge2cycles_2_linmap, edge2cycles_1_linmap], axis=-1))
    cycle_linmap = self_linmap(cycle_attr)
    cycle_out = _mlp_apply(params["cycle_mlp_1"], (1.0 + params["eps_cycle_1"]) * cycle_linmap + lift_aggr)
    # cat_channels(lift_aggr_ptens, cycle_attr) -> edge_mlp_1
    lvl_aggr_cycle = _mlp_apply(params["edge_mlp_1"], jnp.concatenate([lift_aggr, cycle_attr], axis=-1))
    lvl_aggr_cycle = self_linmap(lvl_aggr_cycle)
    # gather cycle 1b -> edge 0b with min_overlaps=1/2: segment-sum of cycle rows onto edges
    lvl_aggr_1 = jax.ops.segment_sum(jnp.take(lvl_aggr_cycle, c2e_src_1, axis=0), c2e_dst_1, num_segments=E)
    lvl_aggr_2 = jax.ops.segment_sum(jnp.take(lvl_aggr_cycle, c2e_src_2, axis=0), c2e_dst_2, num_segments=E)
    lvl_aggr = _mlp_apply(params["edge_mlp_3"], jnp.concatenate([lvl_aggr_1, lvl_aggr_2], axis=-1))
    edge_out = _mlp_apply(params["edge_mlp_2"], (1.0 + params["eps_edge_1"]) * edge_attr + lvl_aggr)
    return (edge_out, cycle_out)

if __name__ == "__main__":
    import jax
    _d = setup_inputs()
    print(jax.jit(kernel)(*tuple(_d.values())))

</pallas_src>

<mosaic_0001>
#map = affine_map<(d0, d1) -> (0, 0)>
#map1 = affine_map<(d0, d1) -> (0)>
module attributes {stable_mosaic.version = 14 : i64} {
  func.func @body(%arg0: i32, %arg1: i32, %arg2: memref<160000x128xf32, #tpu.memory_space<hbm>>, %arg3: memref<180224xi32, #tpu.memory_space<hbm>>, %arg4: memref<180224x128xf32, #tpu.memory_space<hbm>>, %arg5: memref<5632xi32, #tpu.memory_space<vmem>>, %arg6: memref<256x128xf32, #tpu.memory_space<vmem>>, %arg7: memref<!tpu.dma_semaphore, #tpu.memory_space<semaphore_mem>>) attributes {dimension_semantics = [#tpu.dimension_semantics<core_parallel>, #tpu.dimension_semantics<subcore_parallel>], iteration_bounds = array<i64: 2, 16>, scalar_prefetch = 0 : i64, scratch_operands = 3 : i64, tpu.core_type = #tpu.core_type<sc_vector_subcore>, window_params = [{transform_indices = #map}, {transform_indices = #map1}, {transform_indices = #map}]} {
    %mul3A = arith.constant 2 : i32
    %mul3A_0 = arith.muli %arg1, %mul3A : i32
    %add3A = arith.addi %mul3A_0, %arg0 : i32
    %mul3A_1 = arith.constant 5632 : i32
    %mul3A_2 = arith.muli %add3A, %mul3A_1 : i32
    "tpu.region"() ({
      %run_scoped3A = tpu.sem_alloc : memref<!tpu.dma_semaphore, #tpu.memory_space<semaphore_mem>>
      %dma_start3A = tpu.memref_slice %arg3[%mul3A_2] : memref<180224xi32, #tpu.memory_space<hbm>> -> memref<5632xi32, #tpu.memory_space<hbm>>
      %dma_start3A_8 = tpu.memref_slice %arg3[%mul3A_2] : memref<180224xi32, #tpu.memory_space<hbm>> -> memref<5632xi32, #tpu.memory_space<hbm>>
      tpu.enqueue_dma source(%dma_start3A_8 : memref<5632xi32, #tpu.memory_space<hbm>>) target(%arg5 : memref<5632xi32, #tpu.memory_space<vmem>>) target_semaphore(%run_scoped3A : memref<!tpu.dma_semaphore, #tpu.memory_space<semaphore_mem>>)
      %dma_wait3A = tpu.memref_slice %arg3[%mul3A_2] : memref<180224xi32, #tpu.memory_space<hbm>> -> memref<5632xi32, #tpu.memory_space<hbm>>
      %dma_wait3A_9 = tpu.memref_slice %arg3[%mul3A_2] : memref<180224xi32, #tpu.memory_space<hbm>> -> memref<5632xi32, #tpu.memory_space<hbm>>
      tpu.wait_dma2 semaphore(%run_scoped3A : memref<!tpu.dma_semaphore, #tpu.memory_space<semaphore_mem>>) src(%dma_wait3A_9 : memref<5632xi32, #tpu.memory_space<hbm>>) dst(%arg5 : memref<5632xi32, #tpu.memory_space<vmem>>)
      tpu.yield
    }) : () -> ()
    %scan3A = arith.constant 0 : i32
    %scan3A_3 = arith.constant 0 : i32
    %scan3A_4 = arith.constant 22 : i32
    %scan3A_5 = arith.addi %scan3A_3, %scan3A_4 : i32
    %scan3A_6 = arith.constant 1 : i32
    scf.for %scan3A_8 = %scan3A_3 to %scan3A_5 step %scan3A_6  : i32 {
      %mul3A_9 = arith.constant 256 : i32
      %mul3A_10 = arith.muli %scan3A_8, %mul3A_9 : i32
      %dma_start3A = tpu.memref_slice %arg5[%mul3A_10] : memref<5632xi32, #tpu.memory_space<vmem>> -> memref<256xi32, #tpu.memory_space<vmem>>
      %dma_start3A_11 = arith.constant 0 : i32
      %dma_start3A_12 = arith.constant 0 : i32
      %dma_start3A_13 = tpu.memref_slice %arg2[%dma_start3A_11, %dma_start3A_12] : memref<160000x128xf32, #tpu.memory_space<hbm>> -> memref<160000x128xf32, #tpu.memory_space<hbm>>
      tpu.enqueue_indirect_dma source(%dma_start3A_13 : memref<160000x128xf32, #tpu.memory_space<hbm>>) target(%arg6 : memref<256x128xf32, #tpu.memory_space<vmem>>) offsets(%dma_start3A : memref<256xi32, #tpu.memory_space<vmem>>) semaphore(%arg7 : memref<!tpu.dma_semaphore, #tpu.memory_space<semaphore_mem>>)
      %dma_wait3A = tpu.memref_slice %arg5[%mul3A_10] : memref<5632xi32, #tpu.memory_space<vmem>> -> memref<256xi32, #tpu.memory_space<vmem>>
      %dma_wait3A_14 = arith.constant 0 : i32
      %dma_wait3A_15 = arith.constant 0 : i32
      %dma_wait3A_16 = tpu.memref_slice %arg2[%dma_wait3A_14, %dma_wait3A_15] : memref<160000x128xf32, #tpu.memory_space<hbm>> -> memref<160000x128xf32, #tpu.memory_space<hbm>>
      tpu.wait_indirect_dma semaphore(%arg7 : memref<!tpu.dma_semaphore, #tpu.memory_space<semaphore_mem>>) src(%dma_wait3A_16 : memref<160000x128xf32, #tpu.memory_space<hbm>>) dst(%arg6 : memref<256x128xf32, #tpu.memory_space<vmem>>)
      %add3A_17 = arith.addi %mul3A_2, %mul3A_10 : i32
      "tpu.region"() ({
        %run_scoped3A = tpu.sem_alloc : memref<!tpu.dma_semaphore, #tpu.memory_space<semaphore_mem>>
        %dma_start3A_18 = arith.constant 0 : i32
        %dma_start3A_19 = tpu.memref_slice %arg4[%add3A_17, %dma_start3A_18] : memref<180224x128xf32, #tpu.memory_space<hbm>> -> memref<256x128xf32, #tpu.memory_space<hbm>>
        %dma_start3A_20 = arith.constant 0 : i32
        %dma_start3A_21 = tpu.memref_slice %arg4[%add3A_17, %dma_start3A_20] : memref<180224x128xf32, #tpu.memory_space<hbm>> -> memref<256x128xf32, #tpu.memory_space<hbm>>
        tpu.enqueue_dma source(%arg6 : memref<256x128xf32, #tpu.memory_space<vmem>>) target(%dma_start3A_21 : memref<256x128xf32, #tpu.memory_space<hbm>>) target_semaphore(%run_scoped3A : memref<!tpu.dma_semaphore, #tpu.memory_space<semaphore_mem>>)
        %dma_wait3A_22 = arith.constant 0 : i32
        %dma_wait3A_23 = tpu.memref_slice %arg4[%add3A_17, %dma_wait3A_22] : memref<180224x128xf32, #tpu.memory_space<hbm>> -> memref<256x128xf32, #tpu.memory_space<hbm>>
        %dma_wait3A_24 = arith.constant 0 : i32
        %dma_wait3A_25 = tpu.memref_slice %arg4[%add3A_17, %dma_wait3A_24] : memref<180224x128xf32, #tpu.memory_space<hbm>> -> memref<256x128xf32, #tpu.memory_space<hbm>>
        tpu.wait_dma2 semaphore(%run_scoped3A : memref<!tpu.dma_semaphore, #tpu.memory_space<semaphore_mem>>) src(%arg6 : memref<256x128xf32, #tpu.memory_space<vmem>>) dst(%dma_wait3A_25 : memref<256x128xf32, #tpu.memory_space<hbm>>)
        tpu.yield
      }) : () -> ()
    }
    %scan3A_7 = arith.constant 22 : i32
    return
  }
}

</mosaic_0001>

<sc_bundles>
// kernel: _sc_gather_call.3.cloned.1.call-start
scs
__scs_entry_jumppad:
0x0: {  	(pc) =	sbr.rel $0x88, $3  }
0x1: {  	(tag) =	ssettag $0x0;
	lr =	simm.s32 $0x1  }
0x2: {  	[smem:$0x3F9F] =	sst lr;
	_ =	strace $0xD0000000  }
0x3: {  	_ = 	snop  }
0x4: {  	_ = 	snop  }
0x5: {  	_ = 	snop  }
0x6: {  	_ = 	snop  }
0x7: {  	_ = 	snop  }
__scs_overlays_trampoline_lowered:
0x8: {  	[smem:$0x3FAE] =	sst s0  }
0x9: {  	[smem:$0x3FAF] =	sst s1  }
0xa: {  	[smem:$0x3FB0] =	sst s2  }
0xb: {  	[smem:$0x3FB1] =	sst s3  }
0xc: {  	[smem:$0x3FB2] =	sst s4  }
0xd: {  	[smem:$0x3FB3] =	sst s5  }
0xe: {  	[smem:$0x3FB4] =	sst s6  }
0xf: {  	[smem:$0x3FB5] =	sst s7  }
0x10: {  	[smem:$0x3FB6] =	sst s8  }
0x11: {  	[smem:$0x3FB7] =	sst s9;
	s0 =	simm.s32 @!p0 $0x0  }
0x12: {  	s1 =	sld [smem:$0x3F9D];
	s0 =	simm.s32 @p0 $0x1  }
0x13: {  	[smem:$0x3FB8] =	sst s0;
	s0 =	simm.s32 @!p1 $0x0  }
0x14: {  	s2 =	sld [smem:$0x3F9C];
	s0 =	simm.s32 @p1 $0x1  }
0x15: {  	[smem:$0x3FB9] =	sst s0;
	s0 =	simm.s32 @!p2 $0x0  }
0x16: {  	s3 =	sld [smem:$0x3FDB];
	s0 =	simm.s32 @p2 $0x1  }
0x17: {  	s4 =	simm.s32 $0x1BF5;
	[smem:$0x3FBB] =	sst s0  }
0x18: {  	s0 =	sld [smem:$0x3F9E];
	_ =	swait.ge [sflag:s4], $0x0  }
0x19: {  	s7 =	sld [smem:$0x3F9F]  }
0x1a: {  	s8 =	sadd.s32 $0xFFFFE003, lr  }
0x1b: {  	s9 =	sadd.s32 $0xFFFFFEF7, lr;
	s5 =	simm.s32 $0xFFFFFFFF;
	p2 =	slt.u32 s8, $0xFFFFF086  }
0x1c: {  	p1 =	slt.u32 s9, $0xF7A;
	s5 =	simm.s32 @!p2 $0x0  }
0x1d: {  	s5 =	simm.s32 @p1 $0x1;
	p0 =	seq.s32 s7, s2  }
0x1e: {  	s7 =	smul.u32 @!p0 $0xF7A, s2;
	p2 =	seq.s32 @!p0 s5, $0x0  }
0x1f: {  	s9 =	smul.u32 $0xF7A, s1;
	s8 =	simm.s32 @!p0 $0x1BF5;
	p2 =	por !p2, p0  }
0x20: {  	[sflag:s8] =	ssyncset.s32 @!p0 $0xFFFFF086;
	s6 =	sadd.s32 @!p0 s3, s7;
	s7 =	simm.s32 @!p0 $0x108  }
0x21: {  	s3 =	sadd.s32 s3, s9;
	s6 =	sadd.s32 @!p0 $0x88, s6;
	s7 =	simm.s32 @p2 $0x1082  }
0x22: {  	[simem:s7], [sflag:s8] =	dma.local @!p0 [hbm:s6], $0xF7A  }
0x23: {  	s9 =	sor.u32 $0xD0000000, s2;
	s6 =	simm.s32 $0x108;
	_ =	swait.ge @!p0 [sflag:s8], $0x0  }
0x24: {  	s3 =	sadd.s32 $0x88, s3;
	s6 =	simm.s32 @!p1 $0x1082;
	[sflag:s4] =	ssyncset.s32 $0xFFFFF086  }
0x25: {  	[simem:s6], [sflag:s4] =	dma.local [hbm:s3], $0xF7A  }
0x26: {  	[smem:$0x3F9F] =	sst s1;
	(tag) =	ssettag s2;
	_ =	strace s9  }
0x27: {  	s1 =	sld [smem:$0x3FAF]  }
0x28: {  	s2 =	sld [smem:$0x3FB0]  }
0x29: {  	s4 =	sld [smem:$0x3FB2]  }
0x2a: {  	p0 =	seq.s32 s5, $0x0;
	s5 =	sld [smem:$0x3FB3]  }
0x2b: {  	s6 =	sld [smem:$0x3FB4]  }
0x2c: {  	s7 =	sld [smem:$0x3FB5]  }
0x2d: {  	s3 =	simm.s32 $0x108;
	s8 =	sld [smem:$0x3FB6]  }
0x2e: {  	s3 =	simm.s32 @!p0 $0x1082;
	s9 =	sld [smem:$0x3FB7]  }
0x2f: {  	lr =	sadd.s32 s0, s3;
	s0 =	sld [smem:$0x3FAE]  }
0x30: {  	s3 =	sld [smem:$0x3FB1]  }
0x31: {  	[smem:$0x3FBA] =	sst s10  }
0x32: {  	s10 =	sld [smem:$0x3FB8];
	_ =	sdelay $0x3  }
0x33: {  	p0 =	seq.s32 s10, $0x1;
	s10 =	sld [smem:$0x3FBA];
	_ =	sdelay $0x3  }
0x34: {  	[smem:$0x3FBA] =	sst s10  }
0x35: {  	s10 =	sld [smem:$0x3FB9];
	_ =	sdelay $0x3  }
0x36: {  	p1 =	seq.s32 s10, $0x1;
	s10 =	sld [smem:$0x3FBA];
	_ =	sdelay $0x3  }
0x37: {  	[smem:$0x3FBA] =	sst s10  }
0x38: {  	s10 =	sld [smem:$0x3FBB]  }
0x39: {  	_ = 	snop;
	(pc) =	sbr.ind lr, $3  }
0x3a: {  	_ = 	snop  }
0x3b: {  	_ = 	snop  }
0x3c: {  	p2 =	seq.s32 s10, $0x1;
	s10 =	sld [smem:$0x3FBA]  }
0x3d: {  	_ =	shalt  }
0x3e: {  	_ =	shalt  }
0x3f: {  	_ =	shalt  }
0x40: {  	_ =	shalt  }
0x41: {  	_ =	shalt  }
0x42: {  	_ =	shalt  }
0x43: {  	_ =	shalt  }
0x44: {  	_ =	shalt  }
0x45: {  	_ =	shalt  }
0x46: {  	_ =	shalt  }
0x47: {  	_ =	shalt  }
0x48: {  	_ =	shalt  }
0x49: {  	_ =	shalt  }
0x4a: {  	_ =	shalt  }
0x4b: {  	_ =	shalt  }
0x4c: {  	_ =	shalt  }
0x4d: {  	_ =	shalt  }
0x4e: {  	_ =	shalt  }
0x4f: {  	_ =	shalt  }
0x50: {  	_ =	shalt  }
0x51: {  	_ =	shalt  }
0x52: {  	_ =	shalt  }
0x53: {  	_ =	shalt  }
0x54: {  	_ =	shalt  }
0x55: {  	_ =	shalt  }
0x56: {  	_ =	shalt  }
0x57: {  	_ =	shalt  }
0x58: {  	_ =	shalt  }
0x59: {  	_ =	shalt  }
0x5a: {  	_ =	shalt  }
0x5b: {  	_ =	shalt  }
0x5c: {  	_ =	shalt  }
0x5d: {  	_ =	shalt  }
0x5e: {  	_ =	shalt  }
0x5f: {  	_ =	shalt  }
0x60: {  	_ =	shalt  }
0x61: {  	_ =	shalt  }
0x62: {  	_ =	shalt  }
0x63: {  	_ =	shalt  }
0x64: {  	_ =	shalt  }
0x65: {  	_ =	shalt  }
0x66: {  	_ =	shalt  }
0x67: {  	_ =	shalt  }
0x68: {  	_ =	shalt  }
0x69: {  	_ =	shalt  }
0x6a: {  	_ =	shalt  }
0x6b: {  	_ =	shalt  }
0x6c: {  	_ =	shalt  }
0x6d: {  	_ =	shalt  }
0x6e: {  	_ =	shalt  }
0x6f: {  	_ =	shalt  }
0x70: {  	_ =	shalt  }
0x71: {  	_ =	shalt  }
0x72: {  	_ =	shalt  }
0x73: {  	_ =	shalt  }
0x74: {  	_ =	shalt  }
0x75: {  	_ =	shalt  }
0x76: {  	_ =	shalt  }
0x77: {  	_ =	shalt  }
0x78: {  	_ =	shalt  }
0x79: {  	_ =	shalt  }
0x7a: {  	_ =	shalt  }
0x7b: {  	_ =	shalt  }
0x7c: {  	_ =	shalt  }
0x7d: {  	_ =	shalt  }
0x7e: {  	_ =	shalt  }
0x7f: {  	_ =	shalt  }
0x80: {  	_ =	shalt  }
0x81: {  	_ =	shalt  }
0x82: {  	_ =	shalt  }
0x83: {  	_ =	shalt  }
0x84: {  	_ =	shalt  }
0x85: {  	_ =	shalt  }
0x86: {  	_ =	shalt  }
0x87: {  	_ =	shalt  }
.Lfunc_end0:
.L_simem_size_0:
called_computation_lowered:
.L_overlay_start_0:
0x88: {  	s2 =	sld [smem:$0x3FD9]  }
0x89: {  	s3 =	sld [smem:$0x3FFE];
	_ =	sdelay $0x1  }
0x8a: {  	s1 =	srdreg.scid  }
0x8b: {  	s0 =	sand.u32 $0x1, s1  }
0x8c: {  	s18 =	sshll.u32 s0, $0xA;
	s2 =	sadd.s32 s3, s2  }
0x8d: {  	s2 =	sadd.s32 s2, s18  }
0x8e: {  	[smem:$0x3FC6] =	sst s2  }
0x8f: {  	_ = 	snop  }
0x90: {  	s2 =	sld [smem:$0x3FC9]  }
0x91: {  	s19 =	sld [smem:$0x3FC8]  }
0x92: {  	s4 =	sld [smem:$0x3FD0];
	(tm) =	ssettm $0x1  }
0x93: {  	s5 =	sld [smem:$0x3FFB];
	_ =	sdelay $0x3  }
0x94: {  	_ =	strace s5  }
0x95: {  	s5 =	sld [smem:$0x3FFC];
	_ =	sdelay $0x3  }
0x96: {  	_ =	strace s5  }
0x97: {  	s5 =	sld [smem:$0x3FFD];
	_ =	sdelay $0x3  }
0x98: {  	_ =	strace s5  }
0x99: {  	_ =	strace $0x8FFFFFFF  }
0x9a: {  	s20 =	sld [smem:$0x3FDB];
	_ =	sdelay $0x1  }
0x9b: {  	s6 =	simm.s32 $_scs_section_size  }
0x9c: {  	s7 =	simm.s32 $_size__tile_overlayer_lowered;
	s8 =	simm.s32 $_tile_overlayer_lowered  }
0x9d: {  	s23 =	simm.s32 $0x1BFF;
	s22 =	sshll.u32 s8, $0x1;
	s5 =	sadd.s32 s6, s20  }
0x9e: {  	s9 =	simm.s32 $0x0;
	s21 =	sshll.u32 s7, $0x1;
	s7 =	sadd.s32 s22, s5  }
0x9f: {  	[timem:s9], [sflag:s23] =	dma.local [hbm:s7], s21  }
0xa0: {  	_ =	swait.ge [sflag:s23], s21  }
0xa1: {  	s6 =	ssub.s32 $0x0, s21;
	[sflag:s23] =	ssyncset.done $0x0  }
0xa2: {  	[sflag:s23] =	ssyncadd.s32 s6;
	_ =	sdelay $0x1  }
0xa3: {  	s24 =	simm.s32 $0x1B8B  }
0xa4: {  	_ =	swait.ge [sflag:s24], $0x1  }
0xa5: {  	[sflag:s24] =	ssyncset.done $0x0  }
0xa6: {  	s25 =	simm.s32 $0x1B8E;
	[sflag:s24] =	ssyncadd.s32 $0xFFFFFFFF  }
0xa7: {  	s26 =	simm.s32 $execute0_lowered;
	[smem:$0x3FD2] =	sst s25  }
0xa8: {  	s6 =	sshll.u32 s26, $0x1;
	_ =	strace $0x80000046;
	[dreg:$0x1] =	wrdreg $0xFFFFFFFF  }
0xa9: {  	s28 =	simm.s32 $_size_execute0_lowered;
	s5 =	sadd.s32 s5, s6;
	[dreg:$0x0] =	wrdreg $0x0  }
0xaa: {  	s6 =	sshll.u32 s28, $0x1;
	[dreg:$0x2] =	wrdreg s5  }
0xab: {  	[dreg:$0x3] =	wrdreg s6  }
0xac: {  	[dreg:$0x4] =	wrdreg $0xC0  }
0xad: {  	_ =	task [dreg:s9], $0x5FFFF  }
0xae: {  	[dreg:$0x1] =	wrdreg $0xFFFFFFFF  }
0xaf: {  	[dreg:$0x0] =	wrdreg $0x60  }
0xb0: {  	[dreg:$0x2] =	wrdreg s2  }
0xb1: {  	[dreg:$0x3] =	wrdreg s19  }
0xb2: {  	[dreg:$0x4] =	wrdreg s4  }
0xb3: {  	[dreg:$0x5] =	wrdreg $0x9  }
0xb4: {  	_ =	task.clear_ibuf [dreg:s9], $0x6FFFF;
	_ =	strace $0x90000046  }
0xb5: {  	s29 =	simm.s32 $0x9;
	_ =	strace $0x80000048  }
0xb6: {  	_ =	swait.ge [sflag:s29], $0x1  }
0xb7: {  	[sflag:s29] =	ssyncadd.s32 $0xFFFFFFFF  }
0xb8: {  	_ =	strace $0x90000048  }
0xb9: {  	_ =	sfence  }
0xba: {  	s30 =	sld [smem:$0x0];
	_ =	sdelay $0x2  }
0xbb: {  	s31 =	sshll.u32 s1, $0xD;
	s1 =	sshrl.u32 s1, $0x2  }
0xbc: {  	s3 =	sand.u32 $0x4000, s31;
	s1 =	sadd.s32 s1, s30  }
0xbd: {  	s0 =	sor.u32 s3, s0;
	s1 =	sshll.u32 s1, $0x11  }
0xbe: {  	s0 =	sor.u32 s1, s0  }
0xbf: {  	s0 =	sadd.s32 $0x8F2B, s0  }
0xc0: {  	[sflag:s0] =	ssyncadd.remote.s32 $0x1  }
0xc1: {  	_ =	sfence.sel $0xFFFF  }
0xc2: {  	[dreg:$0x0] =	wrdreg $0xFFFFFFFF;
	(pc) =	sbr.abs _section_cstart, $3  }
0xc3: {  	[dreg:$0x1] =	wrdreg $0xFFFFFFFF  }
0xc4: {  	_ =	task.clear_ibuf [dreg:s9], $0x2FFFF;
	_ =	strace $0x9FFFFFFF  }
0xc5: {  	(tm) =	ssettm $0x7FFFFFFF  }
tec
execute0_lowered:
.L_overlay_start_1:
0x0: {  	(tag) =	ssettag $0x1  }
0x1: {  	s1 =	rddreg [dreg:$0x0]  }
0x2: {  	s4 =	rddreg [dreg:$0x1]  }
0x3: {  	s2 =	srdreg.scid;
	s0 =	stileid.u32  }
0x4: {  	s6 =	rddreg [dreg:$0x2];
	s3 =	simm.s32 $0x0;
	s11 =	simm.s32 $0x0  }
0x5: {  	s5 =	sand.u32 $0x1, s2;
	s7 =	sshll.u32 s0, $0x1;
	s2 =	rddreg [dreg:$0x3]  }
0x6: {  	[smem:$0x7FF] =	sst s3;
	s10 =	smul.u32 $0x2C000, s0;
	s7 =	sor.u32 s5, s7  }
0x7: {  	s8 =	ssub.s32 $0x2, s5;
	_ =	strace $0x80000047;
	s31 =	smul.u32 $0x16000, s5  }
0x8: {  	s7 =	smul.u32 $0x1600, s7;
	s9 =	sshrl.u32 s8, $0x1;
	s6 =	sadd.s32 s10, s6  }
0x9: {  	s10 =	simm.s32 $0x1;
	s8 =	ssub.s32 s8, s9;
	s6 =	sadd.s32 s31, s6  }
0xa: {  	s9 =	simm.s32 $0x1600;
	s7 =	sshrl.u32 s7, $0x3;
	s5 =	smax.u32 s8, $0x1  }
0xb: {  	s8 =	simm.s32 $0x100;
	s4 =	sadd.s32 s4, s7;
	s7 =	simm.s32 $0x2  }
.LBB2_1:
0xc: {  	[tilespmem:s3], [sflag:$0x2] =	stream.linear.gather [hbm4b:s4+s3], $0x1600, $0x38;
	[tilespmem:$0x9600] =	vst v63  }
0xd: {  	_ =	swait.ge [sflag:s7], $0x1600  }
0xe: {  	[sflag:s7] =	ssyncset.done $0x0  }
0xf: {  	s12 =	simm.s32 $0x0;
	[sflag:s7] =	ssyncadd.s32 $0xFFFFEA00  }
0x10: {  	[tilespmem:s9], [sflag:$0x1] =	stream.indirect.gather [hbm4b:s1+s8], $0x80, s12, s8, $0xb8;
	[tilespmem:$0x9600] =	vst v63  }
0x11: {  	_ =	swait.ge [sflag:s10], $0x8000  }
0x12: {  	[sflag:s10] =	ssyncset.done $0x0  }
0x13: {  	[sflag:s10] =	ssyncadd.s32 $0xFFFF8000  }
0x14: {  	[hbm4b:s6+s3] =	stream.linear.scatter [tilespmem:s9], [sflag:$0x2], $0x8000, $0x38;
	[tilespmem:$0x9600] =	vst v63  }
0x15: {  	s13 =	simm.s32 $0x400;
	_ =	swait.ge [sflag:s7], $0x8000  }
0x16: {  	s14 =	simm.s32 $0x800;
	s12 =	sadd.s32 $0x1000, s6;
	[sflag:s7] =	ssyncset.done $0x0  }
.LBB2_2:
0x17: {  	s15 =	sshra.s32 s13, $0x2  }
0x18: {  	[sflag:s7] =	ssyncadd.s32 $0xFFFF8000;
	s13 =	smov.u32 s14;
	s16 =	sadd.s32 $0x400, s14  }
0x19: {  	[tilespmem:s9], [sflag:$0x1] =	stream.indirect.gather [hbm4b:s1+s8], $0x80, s15, s8, $0xb8;
	[tilespmem:$0x9600] =	vst v63  }
0x1a: {  	p0 =	sne.s32 s14, $0x5400;
	_ =	swait.ge [sflag:s10], $0x8000  }
.Ltmp0:
0x1b: {  	[sflag:s10] =	ssyncset.done $0x0;
	(pc) =	sbr.rel @p0 .LBB2_2-.Ltmp0, $4  }
0x1c: {  	[sflag:s10] =	ssyncadd.s32 $0xFFFF8000  }
0x1d: {  	[hbm4b:s12+s3] =	stream.linear.scatter [tilespmem:s9], [sflag:$0x2], $0x8000, $0x38;
	[tilespmem:$0x9600] =	vst v63  }
0x1e: {  	_ =	swait.ge [sflag:s7], $0x8000  }
0x1f: {  	s14 =	smov.u32 s16;
	s12 =	sadd.s32 $0x1000, s12;
	[sflag:s7] =	ssyncset.done $0x0  }
0x20: {  	s13 =	sshra.s32 s13, $0x2;
	[sflag:s7] =	ssyncadd.s32 $0xFFFF8000  }
0x21: {  	[tilespmem:s9], [sflag:$0x1] =	stream.indirect.gather [hbm4b:s1+s8], $0x80, s13, s8, $0xb8;
	[tilespmem:$0x9600] =	vst v63  }
0x22: {  	s11 =	sadd.s32 $0x1, s11;
	_ =	swait.ge [sflag:s10], $0x8000  }
0x23: {  	p0 =	sne.s32 s11, s5;
	[sflag:s10] =	ssyncset.done $0x0  }
.Ltmp1:
0x24: {  	[sflag:s10] =	ssyncadd.s32 $0xFFFF8000;
	(pc) =	sbr.rel @p0 .LBB2_1-.Ltmp1, $4  }
0x25: {  	[hbm4b:s12+s3] =	stream.linear.scatter [tilespmem:s9], [sflag:$0x2], $0x8000, $0x38;
	[tilespmem:$0x9600] =	vst v63  }
0x26: {  	_ =	swait.ge [sflag:s7], $0x8000  }
0x27: {  	[sflag:s7] =	ssyncset.done $0x0  }
0x28: {  	[sflag:s7] =	ssyncadd.s32 $0xFFFF8000  }
0x29: {  	_ =	sfence.sel $0x180000  }
0x2a: {  	[bflag:$0x0] =	sbarrier.arrive $0xFFFF  }
0x2b: {  	p0 =	sne.s32 s0, $0x0;
	_ =	strace $0x90000047  }
0x2c: {  	s0 =	sadd.s32 @!p0 $0x100000, s2;
	[bflag:$0x2] =	sbarrier.arrive $0xFFFF  }
0x2d: {  	[sflag:s0] =	ssyncadd.tile.s32 @!p0 $0x1;
	_ =	shalt  }
.Lfunc_end2:
_tile_overlayer_lowered:
.L_overlay_start_2:
0x2e: {  	(tag) =	ssettag $0x2  }
0x2f: {  	s0 =	rddreg [dreg:$0x0];
	s2 =	stileid.u32  }
0x30: {  	s1 =	rddreg [dreg:$0x1];
	p0 =	sne.s32 s2, $0x0  }
0x31: {  	s3 =	rddreg [dreg:$0x2];
	[bflag:$0x3] =	sbarrier.arrive $0xFFFF;
	s2 =	simm.s32 @!p0 $0x1C02  }
0x32: {  	[timem:s3], [sflag:s2] =	dma.local @!p0 [hbm:s0], s1  }
0x33: {  	s0 =	simm.s32 @!p0 $0x2  }
0x34: {  	_ =	swait.ge @!p0 [sflag:s0], s1  }
0x35: {  	s1 =	ssub.s32 @!p0 $0x0, s1;
	[sflag:s0] =	ssyncset.done @!p0 $0x0  }
0x36: {  	[sflag:s0] =	ssyncadd.s32 @!p0 s1  }
0x37: {  	[bflag:$0x3] =	sbarrier.arrive $0xFFFF  }
0x38: {  	_ =	shalt  }

</sc_bundles>
